<compile_context>
chip_gen: v7x
topology: tpu7x:2x2x1
jax: 0.10.2.dev20260603
libtpu: 0.0.44.dev20260713+nightly
codegen_flags: <defaults>
</compile_context>

<pallas_src>
import functools

import jax
import jax.numpy as jnp
from jax import lax
from jax.experimental import pallas as pl
from jax.experimental.pallas import tpu as pltpu
from jax.experimental.pallas import tpu_sc as plsc

_MAX_LEN = 2048
_D_MODEL = 1024
_BATCH = 4

_NC = 2
_NS = 16
_NW = _NC * _NS
_LANES = 16

_ROWS_PER_W = _MAX_LEN // _NW
_CHUNK_ROWS = 16
_NCHUNK = _ROWS_PER_W // _CHUNK_ROWS
_CW = _CHUNK_ROWS * _D_MODEL
_NSTEP = _BATCH * _NCHUNK
_NBUF = 5
_LOOKAHEAD = 3


@functools.partial(
    pl.kernel,
    mesh=plsc.VectorSubcoreMesh(core_axis_name="c", subcore_axis_name="s"),
    out_type=jax.ShapeDtypeStruct((_BATCH, _MAX_LEN, _D_MODEL), jnp.float32),
    scratch_types=[
        pltpu.VMEM((2, _CHUNK_ROWS, _D_MODEL), jnp.float32),
        pltpu.VMEM((_NBUF, _CHUNK_ROWS, _D_MODEL), jnp.float32),
        pltpu.SemaphoreType.DMA,
        pltpu.SemaphoreType.DMA,
        pltpu.SemaphoreType.DMA,
    ],
)
def _posemb_add(x_hbm, t_hbm, out_hbm, tball, xball, tsem, insem, outsem):
    wid = lax.axis_index("c") * _NS + lax.axis_index("s")
    row0 = wid * _ROWS_PER_W

    def x_slice(s):
        q = jax.lax.shift_right_logical(s, 2)
        b = jax.lax.bitwise_and(s, _BATCH - 1)
        return b, pl.ds(row0 + q * _CHUNK_ROWS, _CHUNK_ROWS)

    def start_in(s, bi):
        b, sl = x_slice(s)
        return pltpu.async_copy(x_hbm.at[b, sl, :], xball.at[bi], insem)

    def start_t(q, ti):
        return pltpu.async_copy(
            t_hbm.at[pl.ds(row0 + q * _CHUNK_ROWS, _CHUNK_ROWS), :],
            tball.at[ti], tsem)

    start_t(jnp.int32(0), jnp.int32(0))
    start_t(jnp.int32(1), jnp.int32(1))
    for s in range(_LOOKAHEAD):
        start_in(jnp.int32(s), jnp.int32(s))

    def wait_in(bi):
        pltpu.make_async_copy(x_hbm.at[0, pl.ds(0, _CHUNK_ROWS), :],
                              xball.at[bi], insem).wait()

    def wait_out(bi):
        pltpu.make_async_copy(xball.at[bi],
                              out_hbm.at[0, pl.ds(0, _CHUNK_ROWS), :],
                              outsem).wait()

    def wait_t(ti):
        pltpu.make_async_copy(t_hbm.at[pl.ds(0, _CHUNK_ROWS), :],
                              tball.at[ti], tsem).wait()

    def body(s, bi):
        q = jax.lax.shift_right_logical(s, 2)
        b = jax.lax.bitwise_and(s, _BATCH - 1)
        ti = jax.lax.bitwise_and(q, 1)

        @pl.when(b == 0)
        def _():
            wait_t(ti)

        wait_in(bi)

        @plsc.parallel_loop(0, _CW, step=_LANES, unroll=4)
        def _(j):
            r = jax.lax.shift_right_logical(j, 10)
            c = pl.multiple_of(jax.lax.bitwise_and(j, _D_MODEL - 1), _LANES)
            plsc.addupdate(xball.at[bi, r, pl.ds(c, _LANES)],
                           tball[ti, r, pl.ds(c, _LANES)])

        bb, sl = x_slice(s)
        pltpu.async_copy(xball.at[bi], out_hbm.at[bb, sl, :], outsem)

        @pl.when(jnp.logical_and(b == _BATCH - 1, q + 2 < _NCHUNK))
        def _():
            start_t(q + 2, jax.lax.bitwise_and(q, 1))

        @pl.when(s + _LOOKAHEAD < _NSTEP)
        def _():
            pf = s + _LOOKAHEAD
            pfbi = jax.lax.rem(pf, _NBUF)

            @pl.when(pf >= _NBUF)
            def _():
                wait_out(pfbi)

            b2, sl2 = x_slice(pf)
            pltpu.async_copy(x_hbm.at[b2, sl2, :], xball.at[pfbi], insem)

        return jax.lax.select(bi == _NBUF - 1, jnp.int32(0), bi + 1)

    lax.fori_loop(0, _NSTEP, body, jnp.int32(0))
    for _ in range(_NBUF):
        wait_out(jnp.int32(0))


def kernel(x, table):
    return _posemb_add(x, table)

# --- scband reference (transcript-rebuilt; emitter-appended) ---
"""Pipeline reference for scband-positional-embedding-22857815949815 (READ-ONLY COPY).

The authoritative reference and input builder live on the scoring server;
editing this copy changes nothing except your own understanding.
"""

import jax, jax.numpy as jnp
import numpy as np

MAX_LEN = 2048
D_MODEL = 1024
BATCH = 4

def setup_inputs(seed: int = 0) -> dict:
    key = jax.random.key(seed)
    k1, k2 = jax.random.split(key)
    x = jax.random.normal(k1, (BATCH, MAX_LEN, D_MODEL), dtype=jnp.float32)
    # learned positional embedding table, sized per init_kwargs (max_len, d_model)
    table = jax.random.normal(k2, (MAX_LEN, D_MODEL), dtype=jnp.float32)
    return {"x": x, "table": table}

def reference(x, table):
    # position buffer: [1, max_len]
    position = jnp.arange(MAX_LEN)[None, :]
    # embedding lookup -> [1, max_len, d_model]
    pos_emb = jnp.take(table, position, axis=0)
    out = x + pos_emb
    # dropout in eval mode is identity
    return out

if __name__ == "__main__":
    import jax
    _d = setup_inputs()
    print(jax.jit(kernel)(*tuple(_d.values())))

</pallas_src>

<mosaic_0001>
#map = affine_map<(d0, d1) -> (0, 0, 0)>
#map1 = affine_map<(d0, d1) -> (0, 0)>
module attributes {stable_mosaic.version = 14 : i64} {
  func.func @_posemb_add(%arg0: i32, %arg1: i32, %arg2: memref<4x2048x1024xf32, #tpu.memory_space<hbm>>, %arg3: memref<2048x1024xf32, #tpu.memory_space<hbm>>, %arg4: memref<4x2048x1024xf32, #tpu.memory_space<hbm>>, %arg5: memref<2x16x1024xf32, #tpu.memory_space<vmem>>, %arg6: memref<5x16x1024xf32, #tpu.memory_space<vmem>>, %arg7: memref<!tpu.dma_semaphore, #tpu.memory_space<semaphore_mem>>, %arg8: memref<!tpu.dma_semaphore, #tpu.memory_space<semaphore_mem>>, %arg9: memref<!tpu.dma_semaphore, #tpu.memory_space<semaphore_mem>>) attributes {dimension_semantics = [#tpu.dimension_semantics<core_parallel>, #tpu.dimension_semantics<subcore_parallel>], iteration_bounds = array<i64: 2, 16>, scalar_prefetch = 0 : i64, scratch_operands = 5 : i64, tpu.core_type = #tpu.core_type<sc_vector_subcore>, window_params = [{transform_indices = #map}, {transform_indices = #map1}, {transform_indices = #map}]} {
    %mul3A = arith.constant 16 : i32
    %mul3A_0 = arith.muli %arg0, %mul3A : i32
    %add3A = arith.addi %mul3A_0, %arg1 : i32
    %mul3A_1 = arith.constant 64 : i32
    %mul3A_2 = arith.muli %add3A, %mul3A_1 : i32
    %mul3A_3 = arith.constant 0 : i32
    %mul3A_4 = arith.constant 16 : i32
    %mul3A_5 = arith.muli %mul3A_3, %mul3A_4 : i32
    %add3A_6 = arith.addi %mul3A_2, %mul3A_5 : i32
    %dma_start3A = arith.constant 0 : i32
    %dma_start3A_7 = arith.constant 0 : i32
    %dma_start3A_8 = arith.constant 0 : i32
    %dma_start3A_9 = tpu.memref_slice %arg5[%dma_start3A, %dma_start3A_7, %dma_start3A_8] : memref<2x16x1024xf32, #tpu.memory_space<vmem>> -> memref<1x16x1024xf32, #tpu.memory_space<vmem>>
    %dma_start3A_10 = tpu.memref_squeeze %dma_start3A_9 : memref<1x16x1024xf32, #tpu.memory_space<vmem>> -> memref<16x1024xf32, #tpu.memory_space<vmem>>
    %dma_start3A_11 = arith.constant 0 : i32
    %dma_start3A_12 = tpu.memref_slice %arg3[%add3A_6, %dma_start3A_11] : memref<2048x1024xf32, #tpu.memory_space<hbm>> -> memref<16x1024xf32, #tpu.memory_space<hbm>>
    %dma_start3A_13 = arith.constant 0 : i32
    %dma_start3A_14 = arith.constant 0 : i32
    %dma_start3A_15 = tpu.memref_slice %arg5[%dma_start3A, %dma_start3A_13, %dma_start3A_14] : memref<2x16x1024xf32, #tpu.memory_space<vmem>> -> memref<1x16x1024xf32, #tpu.memory_space<vmem>>
    %dma_start3A_16 = tpu.memref_squeeze %dma_start3A_15 : memref<1x16x1024xf32, #tpu.memory_space<vmem>> -> memref<16x1024xf32, #tpu.memory_space<vmem>>
    %dma_start3A_17 = arith.constant 0 : i32
    %dma_start3A_18 = tpu.memref_slice %arg3[%add3A_6, %dma_start3A_17] : memref<2048x1024xf32, #tpu.memory_space<hbm>> -> memref<16x1024xf32, #tpu.memory_space<hbm>>
    tpu.enqueue_dma source(%dma_start3A_18 : memref<16x1024xf32, #tpu.memory_space<hbm>>) target(%dma_start3A_16 : memref<16x1024xf32, #tpu.memory_space<vmem>>) target_semaphore(%arg7 : memref<!tpu.dma_semaphore, #tpu.memory_space<semaphore_mem>>)
    %mul3A_19 = arith.constant 1 : i32
    %mul3A_20 = arith.constant 16 : i32
    %mul3A_21 = arith.muli %mul3A_19, %mul3A_20 : i32
    %add3A_22 = arith.addi %mul3A_2, %mul3A_21 : i32
    %dma_start3A_23 = arith.constant 1 : i32
    %dma_start3A_24 = arith.constant 0 : i32
    %dma_start3A_25 = arith.constant 0 : i32
    %dma_start3A_26 = tpu.memref_slice %arg5[%dma_start3A_23, %dma_start3A_24, %dma_start3A_25] : memref<2x16x1024xf32, #tpu.memory_space<vmem>> -> memref<1x16x1024xf32, #tpu.memory_space<vmem>>
    %dma_start3A_27 = tpu.memref_squeeze %dma_start3A_26 : memref<1x16x1024xf32, #tpu.memory_space<vmem>> -> memref<16x1024xf32, #tpu.memory_space<vmem>>
    %dma_start3A_28 = arith.constant 0 : i32
    %dma_start3A_29 = tpu.memref_slice %arg3[%add3A_22, %dma_start3A_28] : memref<2048x1024xf32, #tpu.memory_space<hbm>> -> memref<16x1024xf32, #tpu.memory_space<hbm>>
    %dma_start3A_30 = arith.constant 0 : i32
    %dma_start3A_31 = arith.constant 0 : i32
    %dma_start3A_32 = tpu.memref_slice %arg5[%dma_start3A_23, %dma_start3A_30, %dma_start3A_31] : memref<2x16x1024xf32, #tpu.memory_space<vmem>> -> memref<1x16x1024xf32, #tpu.memory_space<vmem>>
    %dma_start3A_33 = tpu.memref_squeeze %dma_start3A_32 : memref<1x16x1024xf32, #tpu.memory_space<vmem>> -> memref<16x1024xf32, #tpu.memory_space<vmem>>
    %dma_start3A_34 = arith.constant 0 : i32
    %dma_start3A_35 = tpu.memref_slice %arg3[%add3A_22, %dma_start3A_34] : memref<2048x1024xf32, #tpu.memory_space<hbm>> -> memref<16x1024xf32, #tpu.memory_space<hbm>>
    tpu.enqueue_dma source(%dma_start3A_35 : memref<16x1024xf32, #tpu.memory_space<hbm>>) target(%dma_start3A_33 : memref<16x1024xf32, #tpu.memory_space<vmem>>) target_semaphore(%arg7 : memref<!tpu.dma_semaphore, #tpu.memory_space<semaphore_mem>>)
    %shift_right_logical3A = arith.constant 0 : i32
    %shift_right_logical3A_36 = arith.constant 2 : i32
    %shift_right_logical3A_37 = arith.shrui %shift_right_logical3A, %shift_right_logical3A_36 : i32
    %and3A = arith.constant 0 : i32
    %and3A_38 = arith.constant 3 : i32
    %and3A_39 = arith.andi %and3A, %and3A_38 : i32
    %mul3A_40 = arith.constant 16 : i32
    %mul3A_41 = arith.muli %shift_right_logical3A_37, %mul3A_40 : i32
    %add3A_42 = arith.addi %mul3A_2, %mul3A_41 : i32
    %dma_start3A_43 = arith.constant 0 : i32
    %dma_start3A_44 = arith.constant 0 : i32
    %dma_start3A_45 = arith.constant 0 : i32
    %dma_start3A_46 = tpu.memref_slice %arg6[%dma_start3A_43, %dma_start3A_44, %dma_start3A_45] : memref<5x16x1024xf32, #tpu.memory_space<vmem>> -> memref<1x16x1024xf32, #tpu.memory_space<vmem>>
    %dma_start3A_47 = tpu.memref_squeeze %dma_start3A_46 : memref<1x16x1024xf32, #tpu.memory_space<vmem>> -> memref<16x1024xf32, #tpu.memory_space<vmem>>
    %dma_start3A_48 = arith.constant 0 : i32
    %dma_start3A_49 = tpu.memref_slice %arg2[%and3A_39, %add3A_42, %dma_start3A_48] : memref<4x2048x1024xf32, #tpu.memory_space<hbm>> -> memref<1x16x1024xf32, #tpu.memory_space<hbm>>
    %dma_start3A_50 = tpu.memref_squeeze %dma_start3A_49 : memref<1x16x1024xf32, #tpu.memory_space<hbm>> -> memref<16x1024xf32, #tpu.memory_space<hbm>>
    %dma_start3A_51 = arith.constant 0 : i32
    %dma_start3A_52 = arith.constant 0 : i32
    %dma_start3A_53 = tpu.memref_slice %arg6[%dma_start3A_43, %dma_start3A_51, %dma_start3A_52] : memref<5x16x1024xf32, #tpu.memory_space<vmem>> -> memref<1x16x1024xf32, #tpu.memory_space<vmem>>
    %dma_start3A_54 = tpu.memref_squeeze %dma_start3A_53 : memref<1x16x1024xf32, #tpu.memory_space<vmem>> -> memref<16x1024xf32, #tpu.memory_space<vmem>>
    %dma_start3A_55 = arith.constant 0 : i32
    %dma_start3A_56 = tpu.memref_slice %arg2[%and3A_39, %add3A_42, %dma_start3A_55] : memref<4x2048x1024xf32, #tpu.memory_space<hbm>> -> memref<1x16x1024xf32, #tpu.memory_space<hbm>>
    %dma_start3A_57 = tpu.memref_squeeze %dma_start3A_56 : memref<1x16x1024xf32, #tpu.memory_space<hbm>> -> memref<16x1024xf32, #tpu.memory_space<hbm>>
    tpu.enqueue_dma source(%dma_start3A_57 : memref<16x1024xf32, #tpu.memory_space<hbm>>) target(%dma_start3A_54 : memref<16x1024xf32, #tpu.memory_space<vmem>>) target_semaphore(%arg8 : memref<!tpu.dma_semaphore, #tpu.memory_space<semaphore_mem>>)
    %shift_right_logical3A_58 = arith.constant 1 : i32
    %shift_right_logical3A_59 = arith.constant 2 : i32
    %shift_right_logical3A_60 = arith.shrui %shift_right_logical3A_58, %shift_right_logical3A_59 : i32
    %and3A_61 = arith.constant 1 : i32
    %and3A_62 = arith.constant 3 : i32
    %and3A_63 = arith.andi %and3A_61, %and3A_62 : i32
    %mul3A_64 = arith.constant 16 : i32
    %mul3A_65 = arith.muli %shift_right_logical3A_60, %mul3A_64 : i32
    %add3A_66 = arith.addi %mul3A_2, %mul3A_65 : i32
    %dma_start3A_67 = arith.constant 1 : i32
    %dma_start3A_68 = arith.constant 0 : i32
    %dma_start3A_69 = arith.constant 0 : i32
    %dma_start3A_70 = tpu.memref_slice %arg6[%dma_start3A_67, %dma_start3A_68, %dma_start3A_69] : memref<5x16x1024xf32, #tpu.memory_space<vmem>> -> memref<1x16x1024xf32, #tpu.memory_space<vmem>>
    %dma_start3A_71 = tpu.memref_squeeze %dma_start3A_70 : memref<1x16x1024xf32, #tpu.memory_space<vmem>> -> memref<16x1024xf32, #tpu.memory_space<vmem>>
    %dma_start3A_72 = arith.constant 0 : i32
    %dma_start3A_73 = tpu.memref_slice %arg2[%and3A_63, %add3A_66, %dma_start3A_72] : memref<4x2048x1024xf32, #tpu.memory_space<hbm>> -> memref<1x16x1024xf32, #tpu.memory_space<hbm>>
    %dma_start3A_74 = tpu.memref_squeeze %dma_start3A_73 : memref<1x16x1024xf32, #tpu.memory_space<hbm>> -> memref<16x1024xf32, #tpu.memory_space<hbm>>
    %dma_start3A_75 = arith.constant 0 : i32
    %dma_start3A_76 = arith.constant 0 : i32
    %dma_start3A_77 = tpu.memref_slice %arg6[%dma_start3A_67, %dma_start3A_75, %dma_start3A_76] : memref<5x16x1024xf32, #tpu.memory_space<vmem>> -> memref<1x16x1024xf32, #tpu.memory_space<vmem>>
    %dma_start3A_78 = tpu.memref_squeeze %dma_start3A_77 : memref<1x16x1024xf32, #tpu.memory_space<vmem>> -> memref<16x1024xf32, #tpu.memory_space<vmem>>
    %dma_start3A_79 = arith.constant 0 : i32
    %dma_start3A_80 = tpu.memref_slice %arg2[%and3A_63, %add3A_66, %dma_start3A_79] : memref<4x2048x1024xf32, #tpu.memory_space<hbm>> -> memref<1x16x1024xf32, #tpu.memory_space<hbm>>
    %dma_start3A_81 = tpu.memref_squeeze %dma_start3A_80 : memref<1x16x1024xf32, #tpu.memory_space<hbm>> -> memref<16x1024xf32, #tpu.memory_space<hbm>>
    tpu.enqueue_dma source(%dma_start3A_81 : memref<16x1024xf32, #tpu.memory_space<hbm>>) target(%dma_start3A_78 : memref<16x1024xf32, #tpu.memory_space<vmem>>) target_semaphore(%arg8 : memref<!tpu.dma_semaphore, #tpu.memory_space<semaphore_mem>>)
    %shift_right_logical3A_82 = arith.constant 2 : i32
    %shift_right_logical3A_83 = arith.constant 2 : i32
    %shift_right_logical3A_84 = arith.shrui %shift_right_logical3A_82, %shift_right_logical3A_83 : i32
    %and3A_85 = arith.constant 2 : i32
    %and3A_86 = arith.constant 3 : i32
    %and3A_87 = arith.andi %and3A_85, %and3A_86 : i32
    %mul3A_88 = arith.constant 16 : i32
    %mul3A_89 = arith.muli %shift_right_logical3A_84, %mul3A_88 : i32
    %add3A_90 = arith.addi %mul3A_2, %mul3A_89 : i32
    %dma_start3A_91 = arith.constant 2 : i32
    %dma_start3A_92 = arith.constant 0 : i32
    %dma_start3A_93 = arith.constant 0 : i32
    %dma_start3A_94 = tpu.memref_slice %arg6[%dma_start3A_91, %dma_start3A_92, %dma_start3A_93] : memref<5x16x1024xf32, #tpu.memory_space<vmem>> -> memref<1x16x1024xf32, #tpu.memory_space<vmem>>
    %dma_start3A_95 = tpu.memref_squeeze %dma_start3A_94 : memref<1x16x1024xf32, #tpu.memory_space<vmem>> -> memref<16x1024xf32, #tpu.memory_space<vmem>>
    %dma_start3A_96 = arith.constant 0 : i32
    %dma_start3A_97 = tpu.memref_slice %arg2[%and3A_87, %add3A_90, %dma_start3A_96] : memref<4x2048x1024xf32, #tpu.memory_space<hbm>> -> memref<1x16x1024xf32, #tpu.memory_space<hbm>>
    %dma_start3A_98 = tpu.memref_squeeze %dma_start3A_97 : memref<1x16x1024xf32, #tpu.memory_space<hbm>> -> memref<16x1024xf32, #tpu.memory_space<hbm>>
    %dma_start3A_99 = arith.constant 0 : i32
    %dma_start3A_100 = arith.constant 0 : i32
    %dma_start3A_101 = tpu.memref_slice %arg6[%dma_start3A_91, %dma_start3A_99, %dma_start3A_100] : memref<5x16x1024xf32, #tpu.memory_space<vmem>> -> memref<1x16x1024xf32, #tpu.memory_space<vmem>>
    %dma_start3A_102 = tpu.memref_squeeze %dma_start3A_101 : memref<1x16x1024xf32, #tpu.memory_space<vmem>> -> memref<16x1024xf32, #tpu.memory_space<vmem>>
    %dma_start3A_103 = arith.constant 0 : i32
    %dma_start3A_104 = tpu.memref_slice %arg2[%and3A_87, %add3A_90, %dma_start3A_103] : memref<4x2048x1024xf32, #tpu.memory_space<hbm>> -> memref<1x16x1024xf32, #tpu.memory_space<hbm>>
    %dma_start3A_105 = tpu.memref_squeeze %dma_start3A_104 : memref<1x16x1024xf32, #tpu.memory_space<hbm>> -> memref<16x1024xf32, #tpu.memory_space<hbm>>
    tpu.enqueue_dma source(%dma_start3A_105 : memref<16x1024xf32, #tpu.memory_space<hbm>>) target(%dma_start3A_102 : memref<16x1024xf32, #tpu.memory_space<vmem>>) target_semaphore(%arg8 : memref<!tpu.dma_semaphore, #tpu.memory_space<semaphore_mem>>)
    %scan3A = arith.constant 0 : i32
    %scan3A_106 = arith.constant 0 : i32
    %scan3A_107 = arith.constant 16 : i32
    %scan3A_108 = arith.addi %scan3A_106, %scan3A_107 : i32
    %scan3A_109 = arith.constant 1 : i32
    %scan3A_110 = scf.for %scan3A_201 = %scan3A_106 to %scan3A_108 step %scan3A_109 iter_args(%scan3A_202 = %scan3A) -> (i32)  : i32 {
      %shift_right_logical3A_203 = arith.constant 2 : i32
      %shift_right_logical3A_204 = arith.shrui %scan3A_201, %shift_right_logical3A_203 : i32
      %and3A_205 = arith.constant 3 : i32
      %and3A_206 = arith.andi %scan3A_201, %and3A_205 : i32
      %and3A_207 = arith.constant 1 : i32
      %and3A_208 = arith.andi %shift_right_logical3A_204, %and3A_207 : i32
      %eq3A = arith.constant 0 : i32
      %eq3A_209 = arith.cmpi eq, %and3A_206, %eq3A : i32
      %convert_element_type3A = arith.extui %eq3A_209 : i1 to i32
      %cond3A = arith.constant 0 : i32
      %cond3A_210 = arith.cmpi ne, %convert_element_type3A, %cond3A : i32
      scf.if %cond3A_210 {
        %dma_wait3A_272 = arith.constant 0 : i32
        %dma_wait3A_273 = arith.constant 0 : i32
        %dma_wait3A_274 = tpu.memref_slice %arg5[%and3A_208, %dma_wait3A_272, %dma_wait3A_273] : memref<2x16x1024xf32, #tpu.memory_space<vmem>> -> memref<1x16x1024xf32, #tpu.memory_space<vmem>>
        %dma_wait3A_275 = tpu.memref_squeeze %dma_wait3A_274 : memref<1x16x1024xf32, #tpu.memory_space<vmem>> -> memref<16x1024xf32, #tpu.memory_space<vmem>>
        %dma_wait3A_276 = arith.constant 0 : i32
        %dma_wait3A_277 = arith.constant 0 : i32
        %dma_wait3A_278 = tpu.memref_slice %arg3[%dma_wait3A_276, %dma_wait3A_277] : memref<2048x1024xf32, #tpu.memory_space<hbm>> -> memref<16x1024xf32, #tpu.memory_space<hbm>>
        %dma_wait3A_279 = arith.constant 0 : i32
        %dma_wait3A_280 = arith.constant 0 : i32
        %dma_wait3A_281 = tpu.memref_slice %arg5[%and3A_208, %dma_wait3A_279, %dma_wait3A_280] : memref<2x16x1024xf32, #tpu.memory_space<vmem>> -> memref<1x16x1024xf32, #tpu.memory_space<vmem>>
        %dma_wait3A_282 = tpu.memref_squeeze %dma_wait3A_281 : memref<1x16x1024xf32, #tpu.memory_space<vmem>> -> memref<16x1024xf32, #tpu.memory_space<vmem>>
        %dma_wait3A_283 = arith.constant 0 : i32
        %dma_wait3A_284 = arith.constant 0 : i32
        %dma_wait3A_285 = tpu.memref_slice %arg3[%dma_wait3A_283, %dma_wait3A_284] : memref<2048x1024xf32, #tpu.memory_space<hbm>> -> memref<16x1024xf32, #tpu.memory_space<hbm>>
        tpu.wait_dma2 semaphore(%arg7 : memref<!tpu.dma_semaphore, #tpu.memory_space<semaphore_mem>>) src(%dma_wait3A_285 : memref<16x1024xf32, #tpu.memory_space<hbm>>) dst(%dma_wait3A_282 : memref<16x1024xf32, #tpu.memory_space<vmem>>)
      } else {
      }
      %dma_wait3A_211 = arith.constant 0 : i32
      %dma_wait3A_212 = arith.constant 0 : i32
      %dma_wait3A_213 = arith.constant 0 : i32
      %dma_wait3A_214 = tpu.memref_slice %arg6[%scan3A_202, %dma_wait3A_212, %dma_wait3A_213] : memref<5x16x1024xf32, #tpu.memory_space<vmem>> -> memref<1x16x1024xf32, #tpu.memory_space<vmem>>
      %dma_wait3A_215 = tpu.memref_squeeze %dma_wait3A_214 : memref<1x16x1024xf32, #tpu.memory_space<vmem>> -> memref<16x1024xf32, #tpu.memory_space<vmem>>
      %dma_wait3A_216 = arith.constant 0 : i32
      %dma_wait3A_217 = arith.constant 0 : i32
      %dma_wait3A_218 = tpu.memref_slice %arg2[%dma_wait3A_211, %dma_wait3A_216, %dma_wait3A_217] : memref<4x2048x1024xf32, #tpu.memory_space<hbm>> -> memref<1x16x1024xf32, #tpu.memory_space<hbm>>
      %dma_wait3A_219 = tpu.memref_squeeze %dma_wait3A_218 : memref<1x16x1024xf32, #tpu.memory_space<hbm>> -> memref<16x1024xf32, #tpu.memory_space<hbm>>
      %dma_wait3A_220 = arith.constant 0 : i32
      %dma_wait3A_221 = arith.constant 0 : i32
      %dma_wait3A_222 = tpu.memref_slice %arg6[%scan3A_202, %dma_wait3A_220, %dma_wait3A_221] : memref<5x16x1024xf32, #tpu.memory_space<vmem>> -> memref<1x16x1024xf32, #tpu.memory_space<vmem>>
      %dma_wait3A_223 = tpu.memref_squeeze %dma_wait3A_222 : memref<1x16x1024xf32, #tpu.memory_space<vmem>> -> memref<16x1024xf32, #tpu.memory_space<vmem>>
      %dma_wait3A_224 = arith.constant 0 : i32
      %dma_wait3A_225 = arith.constant 0 : i32
      %dma_wait3A_226 = tpu.memref_slice %arg2[%dma_wait3A_211, %dma_wait3A_224, %dma_wait3A_225] : memref<4x2048x1024xf32, #tpu.memory_space<hbm>> -> memref<1x16x1024xf32, #tpu.memory_space<hbm>>
      %dma_wait3A_227 = tpu.memref_squeeze %dma_wait3A_226 : memref<1x16x1024xf32, #tpu.memory_space<hbm>> -> memref<16x1024xf32, #tpu.memory_space<hbm>>
      tpu.wait_dma2 semaphore(%arg8 : memref<!tpu.dma_semaphore, #tpu.memory_space<semaphore_mem>>) src(%dma_wait3A_227 : memref<16x1024xf32, #tpu.memory_space<hbm>>) dst(%dma_wait3A_223 : memref<16x1024xf32, #tpu.memory_space<vmem>>)
      %parallel_loop3A = arith.constant 0 : i32
      %parallel_loop3A_228 = arith.constant 16384 : i32
      %parallel_loop3A_229 = arith.constant 16 : i32
      scf.for %parallel_loop3A_272 = %parallel_loop3A to %parallel_loop3A_228 step %parallel_loop3A_229  : i32 {
        %parallel_loop3A_273 = arith.constant 10 : i32
        %parallel_loop3A_274 = arith.shrui %parallel_loop3A_272, %parallel_loop3A_273 : i32
        %parallel_loop3A_275 = arith.constant 1023 : i32
        %parallel_loop3A_276 = arith.andi %parallel_loop3A_272, %parallel_loop3A_275 : i32
        %parallel_loop3A_277 = tpu.assume_multiple %parallel_loop3A_276, 16 : i32
        %parallel_loop3A_278 = arith.index_cast %and3A_208 : i32 to index
        %parallel_loop3A_279 = arith.index_cast %parallel_loop3A_274 : i32 to index
        %parallel_loop3A_280 = arith.index_cast %parallel_loop3A_277 : i32 to index
        %parallel_loop3A_281 = tpu.vector_load %arg5[%parallel_loop3A_278, %parallel_loop3A_279, %parallel_loop3A_280] {strides = array<i32>} : memref<2x16x1024xf32, #tpu.memory_space<vmem>>, vector<1x1x16xf32>,
        %parallel_loop3A_282 = vector.shape_cast %parallel_loop3A_281 : vector<1x1x16xf32> to vector<16xf32>
        %parallel_loop3A_283 = arith.index_cast %scan3A_202 : i32 to index
        %parallel_loop3A_284 = arith.index_cast %parallel_loop3A_274 : i32 to index
        %parallel_loop3A_285 = arith.index_cast %parallel_loop3A_277 : i32 to index
        %parallel_loop3A_286 = tpu.vector_load %arg6[%parallel_loop3A_283, %parallel_loop3A_284, %parallel_loop3A_285] {strides = array<i32>} : memref<5x16x1024xf32, #tpu.memory_space<vmem>>, vector<1x1x16xf32>,
        %parallel_loop3A_287 = vector.shape_cast %parallel_loop3A_286 : vector<1x1x16xf32> to vector<16xf32>
        %parallel_loop3A_288 = vector.shape_cast %parallel_loop3A_282 : vector<16xf32> to vector<1x1x16xf32>
        tpu.vector_store %arg6[%parallel_loop3A_283, %parallel_loop3A_284, %parallel_loop3A_285], %parallel_loop3A_288 {add = true, strides = array<i32>} : memref<5x16x1024xf32, #tpu.memory_space<vmem>>, vector<1x1x16xf32>,
      } {sc.loop_unroll_factor = 4 : i64, sc.parallel_access}
      %shift_right_logical3A_230 = arith.constant 2 : i32
      %shift_right_logical3A_231 = arith.shrui %scan3A_201, %shift_right_logical3A_230 : i32
      %and3A_232 = arith.constant 3 : i32
      %and3A_233 = arith.andi %scan3A_201, %and3A_232 : i32
      %mul3A_234 = arith.constant 16 : i32
      %mul3A_235 = arith.muli %shift_right_logical3A_231, %mul3A_234 : i32
      %add3A_236 = arith.addi %mul3A_2, %mul3A_235 : i32
      %dma_start3A_237 = arith.constant 0 : i32
      %dma_start3A_238 = arith.constant 0 : i32
      %dma_start3A_239 = tpu.memref_slice %arg6[%scan3A_202, %dma_start3A_237, %dma_start3A_238] : memref<5x16x1024xf32, #tpu.memory_space<vmem>> -> memref<1x16x1024xf32, #tpu.memory_space<vmem>>
      %dma_start3A_240 = tpu.memref_squeeze %dma_start3A_239 : memref<1x16x1024xf32, #tpu.memory_space<vmem>> -> memref<16x1024xf32, #tpu.memory_space<vmem>>
      %dma_start3A_241 = arith.constant 0 : i32
      %dma_start3A_242 = tpu.memref_slice %arg4[%and3A_233, %add3A_236, %dma_start3A_241] : memref<4x2048x1024xf32, #tpu.memory_space<hbm>> -> memref<1x16x1024xf32, #tpu.memory_space<hbm>>
      %dma_start3A_243 = tpu.memref_squeeze %dma_start3A_242 : memref<1x16x1024xf32, #tpu.memory_space<hbm>> -> memref<16x1024xf32, #tpu.memory_space<hbm>>
      %dma_start3A_244 = arith.constant 0 : i32
      %dma_start3A_245 = tpu.memref_slice %arg4[%and3A_233, %add3A_236, %dma_start3A_244] : memref<4x2048x1024xf32, #tpu.memory_space<hbm>> -> memref<1x16x1024xf32, #tpu.memory_space<hbm>>
      %dma_start3A_246 = tpu.memref_squeeze %dma_start3A_245 : memref<1x16x1024xf32, #tpu.memory_space<hbm>> -> memref<16x1024xf32, #tpu.memory_space<hbm>>
      %dma_start3A_247 = arith.constant 0 : i32
      %dma_start3A_248 = arith.constant 0 : i32
      %dma_start3A_249 = tpu.memref_slice %arg6[%scan3A_202, %dma_start3A_247, %dma_start3A_248] : memref<5x16x1024xf32, #tpu.memory_space<vmem>> -> memref<1x16x1024xf32, #tpu.memory_space<vmem>>
      %dma_start3A_250 = tpu.memref_squeeze %dma_start3A_249 : memref<1x16x1024xf32, #tpu.memory_space<vmem>> -> memref<16x1024xf32, #tpu.memory_space<vmem>>
      tpu.enqueue_dma source(%dma_start3A_250 : memref<16x1024xf32, #tpu.memory_space<vmem>>) target(%dma_start3A_246 : memref<16x1024xf32, #tpu.memory_space<hbm>>) target_semaphore(%arg9 : memref<!tpu.dma_semaphore, #tpu.memory_space<semaphore_mem>>)
      %eq3A_251 = arith.constant 3 : i32
      %eq3A_252 = arith.cmpi eq, %and3A_206, %eq3A_251 : i32
      %add3A_253 = arith.constant 2 : i32
      %add3A_254 = arith.addi %shift_right_logical3A_204, %add3A_253 : i32
      %lt3A = arith.constant 4 : i32
      %lt3A_255 = arith.cmpi slt, %add3A_254, %lt3A : i32
      %and3A_256 = arith.andi %eq3A_252, %lt3A_255 : i1
      %convert_element_type3A_257 = arith.extui %and3A_256 : i1 to i32
      %cond3A_258 = arith.constant 0 : i32
      %cond3A_259 = arith.cmpi ne, %convert_element_type3A_257, %cond3A_258 : i32
      scf.if %cond3A_259 {
        %add3A_272 = arith.constant 2 : i32
        %add3A_273 = arith.addi %shift_right_logical3A_204, %add3A_272 : i32
        %and3A_274 = arith.constant 1 : i32
        %and3A_275 = arith.andi %shift_right_logical3A_204, %and3A_274 : i32
        %mul3A_276 = arith.constant 16 : i32
        %mul3A_277 = arith.muli %add3A_273, %mul3A_276 : i32
        %add3A_278 = arith.addi %mul3A_2, %mul3A_277 : i32
        %dma_start3A_279 = arith.constant 0 : i32
        %dma_start3A_280 = arith.constant 0 : i32
        %dma_start3A_281 = tpu.memref_slice %arg5[%and3A_275, %dma_start3A_279, %dma_start3A_280] : memref<2x16x1024xf32, #tpu.memory_space<vmem>> -> memref<1x16x1024xf32, #tpu.memory_space<vmem>>
        %dma_start3A_282 = tpu.memref_squeeze %dma_start3A_281 : memref<1x16x1024xf32, #tpu.memory_space<vmem>> -> memref<16x1024xf32, #tpu.memory_space<vmem>>
        %dma_start3A_283 = arith.constant 0 : i32
        %dma_start3A_284 = tpu.memref_slice %arg3[%add3A_278, %dma_start3A_283] : memref<2048x1024xf32, #tpu.memory_space<hbm>> -> memref<16x1024xf32, #tpu.memory_space<hbm>>
        %dma_start3A_285 = arith.constant 0 : i32
        %dma_start3A_286 = arith.constant 0 : i32
        %dma_start3A_287 = tpu.memref_slice %arg5[%and3A_275, %dma_start3A_285, %dma_start3A_286] : memref<2x16x1024xf32, #tpu.memory_space<vmem>> -> memref<1x16x1024xf32, #tpu.memory_space<vmem>>
        %dma_start3A_288 = tpu.memref_squeeze %dma_start3A_287 : memref<1x16x1024xf32, #tpu.memory_space<vmem>> -> memref<16x1024xf32, #tpu.memory_space<vmem>>
        %dma_start3A_289 = arith.constant 0 : i32
        %dma_start3A_290 = tpu.memref_slice %arg3[%add3A_278, %dma_start3A_289] : memref<2048x1024xf32, #tpu.memory_space<hbm>> -> memref<16x1024xf32, #tpu.memory_space<hbm>>
        tpu.enqueue_dma source(%dma_start3A_290 : memref<16x1024xf32, #tpu.memory_space<hbm>>) target(%dma_start3A_288 : memref<16x1024xf32, #tpu.memory_space<vmem>>) target_semaphore(%arg7 : memref<!tpu.dma_semaphore, #tpu.memory_space<semaphore_mem>>)
      } else {
      }
      %add3A_260 = arith.constant 3 : i32
      %add3A_261 = arith.addi %scan3A_201, %add3A_260 : i32
      %lt3A_262 = arith.constant 16 : i32
      %lt3A_263 = arith.cmpi slt, %add3A_261, %lt3A_262 : i32
      %convert_element_type3A_264 = arith.extui %lt3A_263 : i1 to i32
      %cond3A_265 = arith.constant 0 : i32
      %cond3A_266 = arith.cmpi ne, %convert_element_type3A_264, %cond3A_265 : i32
      scf.if %cond3A_266 {
        %add3A_272 = arith.constant 3 : i32
        %add3A_273 = arith.addi %scan3A_201, %add3A_272 : i32
        %rem3A = arith.constant 5 : i32
        %rem3A_274 = arith.remsi %add3A_273, %rem3A : i32
        %ge3A = arith.constant 5 : i32
        %ge3A_275 = arith.cmpi sge, %add3A_273, %ge3A : i32
        %convert_element_type3A_276 = arith.extui %ge3A_275 : i1 to i32
        %cond3A_277 = arith.constant 0 : i32
        %cond3A_278 = arith.cmpi ne, %convert_element_type3A_276, %cond3A_277 : i32
        scf.if %cond3A_278 {
          %dma_wait3A_300 = arith.constant 0 : i32
          %dma_wait3A_301 = arith.constant 0 : i32
          %dma_wait3A_302 = arith.constant 0 : i32
          %dma_wait3A_303 = tpu.memref_slice %arg6[%rem3A_274, %dma_wait3A_301, %dma_wait3A_302] : memref<5x16x1024xf32, #tpu.memory_space<vmem>> -> memref<1x16x1024xf32, #tpu.memory_space<vmem>>
          %dma_wait3A_304 = tpu.memref_squeeze %dma_wait3A_303 : memref<1x16x1024xf32, #tpu.memory_space<vmem>> -> memref<16x1024xf32, #tpu.memory_space<vmem>>
          %dma_wait3A_305 = arith.constant 0 : i32
          %dma_wait3A_306 = arith.constant 0 : i32
          %dma_wait3A_307 = tpu.memref_slice %arg4[%dma_wait3A_300, %dma_wait3A_305, %dma_wait3A_306] : memref<4x2048x1024xf32, #tpu.memory_space<hbm>> -> memref<1x16x1024xf32, #tpu.memory_space<hbm>>
          %dma_wait3A_308 = tpu.memref_squeeze %dma_wait3A_307 : memref<1x16x1024xf32, #tpu.memory_space<hbm>> -> memref<16x1024xf32, #tpu.memory_space<hbm>>
          %dma_wait3A_309 = arith.constant 0 : i32
          %dma_wait3A_310 = arith.constant 0 : i32
          %dma_wait3A_311 = tpu.memref_slice %arg4[%dma_wait3A_300, %dma_wait3A_309, %dma_wait3A_310] : memref<4x2048x1024xf32, #tpu.memory_space<hbm>> -> memref<1x16x1024xf32, #tpu.memory_space<hbm>>
          %dma_wait3A_312 = tpu.memref_squeeze %dma_wait3A_311 : memref<1x16x1024xf32, #tpu.memory_space<hbm>> -> memref<16x1024xf32, #tpu.memory_space<hbm>>
          %dma_wait3A_313 = arith.constant 0 : i32
          %dma_wait3A_314 = arith.constant 0 : i32
          %dma_wait3A_315 = tpu.memref_slice %arg6[%rem3A_274, %dma_wait3A_313, %dma_wait3A_314] : memref<5x16x1024xf32, #tpu.memory_space<vmem>> -> memref<1x16x1024xf32, #tpu.memory_space<vmem>>
          %dma_wait3A_316 = tpu.memref_squeeze %dma_wait3A_315 : memref<1x16x1024xf32, #tpu.memory_space<vmem>> -> memref<16x1024xf32, #tpu.memory_space<vmem>>
          tpu.wait_dma2 semaphore(%arg9 : memref<!tpu.dma_semaphore, #tpu.memory_space<semaphore_mem>>) src(%dma_wait3A_316 : memref<16x1024xf32, #tpu.memory_space<vmem>>) dst(%dma_wait3A_312 : memref<16x1024xf32, #tpu.memory_space<hbm>>)
        } else {
        }
        %shift_right_logical3A_279 = arith.constant 2 : i32
        %shift_right_logical3A_280 = arith.shrui %add3A_273, %shift_right_logical3A_279 : i32
        %and3A_281 = arith.constant 3 : i32
        %and3A_282 = arith.andi %add3A_273, %and3A_281 : i32
        %mul3A_283 = arith.constant 16 : i32
        %mul3A_284 = arith.muli %shift_right_logical3A_280, %mul3A_283 : i32
        %add3A_285 = arith.addi %mul3A_2, %mul3A_284 : i32
        %dma_start3A_286 = arith.constant 0 : i32
        %dma_start3A_287 = arith.constant 0 : i32
        %dma_start3A_288 = tpu.memref_slice %arg6[%rem3A_274, %dma_start3A_286, %dma_start3A_287] : memref<5x16x1024xf32, #tpu.memory_space<vmem>> -> memref<1x16x1024xf32, #tpu.memory_space<vmem>>
        %dma_start3A_289 = tpu.memref_squeeze %dma_start3A_288 : memref<1x16x1024xf32, #tpu.memory_space<vmem>> -> memref<16x1024xf32, #tpu.memory_space<vmem>>
        %dma_start3A_290 = arith.constant 0 : i32
        %dma_start3A_291 = tpu.memref_slice %arg2[%and3A_282, %add3A_285, %dma_start3A_290] : memref<4x2048x1024xf32, #tpu.memory_space<hbm>> -> memref<1x16x1024xf32, #tpu.memory_space<hbm>>
        %dma_start3A_292 = tpu.memref_squeeze %dma_start3A_291 : memref<1x16x1024xf32, #tpu.memory_space<hbm>> -> memref<16x1024xf32, #tpu.memory_space<hbm>>
        %dma_start3A_293 = arith.constant 0 : i32
        %dma_start3A_294 = arith.constant 0 : i32
        %dma_start3A_295 = tpu.memref_slice %arg6[%rem3A_274, %dma_start3A_293, %dma_start3A_294] : memref<5x16x1024xf32, #tpu.memory_space<vmem>> -> memref<1x16x1024xf32, #tpu.memory_space<vmem>>
        %dma_start3A_296 = tpu.memref_squeeze %dma_start3A_295 : memref<1x16x1024xf32, #tpu.memory_space<vmem>> -> memref<16x1024xf32, #tpu.memory_space<vmem>>
        %dma_start3A_297 = arith.constant 0 : i32
        %dma_start3A_298 = tpu.memref_slice %arg2[%and3A_282, %add3A_285, %dma_start3A_297] : memref<4x2048x1024xf32, #tpu.memory_space<hbm>> -> memref<1x16x1024xf32, #tpu.memory_space<hbm>>
        %dma_start3A_299 = tpu.memref_squeeze %dma_start3A_298 : memref<1x16x1024xf32, #tpu.memory_space<hbm>> -> memref<16x1024xf32, #tpu.memory_space<hbm>>
        tpu.enqueue_dma source(%dma_start3A_299 : memref<16x1024xf32, #tpu.memory_space<hbm>>) target(%dma_start3A_296 : memref<16x1024xf32, #tpu.memory_space<vmem>>) target_semaphore(%arg8 : memref<!tpu.dma_semaphore, #tpu.memory_space<semaphore_mem>>)
      } else {
      }
      %eq3A_267 = arith.constant 4 : i32
      %eq3A_268 = arith.cmpi eq, %scan3A_202, %eq3A_267 : i32
      %add3A_269 = arith.constant 1 : i32
      %add3A_270 = arith.addi %scan3A_202, %add3A_269 : i32
      %select_n3A = arith.constant 0 : i32
      %select_n3A_271 = arith.select %eq3A_268, %select_n3A, %add3A_270 : i32
      scf.yield %select_n3A_271 : i32
    }
    %scan3A_111 = arith.constant 16 : i32
    %dma_wait3A = arith.constant 0 : i32
    %dma_wait3A_112 = arith.constant 0 : i32
    %dma_wait3A_113 = arith.constant 0 : i32
    %dma_wait3A_114 = arith.constant 0 : i32
    %dma_wait3A_115 = tpu.memref_slice %arg6[%dma_wait3A, %dma_wait3A_113, %dma_wait3A_114] : memref<5x16x1024xf32, #tpu.memory_space<vmem>> -> memref<1x16x1024xf32, #tpu.memory_space<vmem>>
    %dma_wait3A_116 = tpu.memref_squeeze %dma_wait3A_115 : memref<1x16x1024xf32, #tpu.memory_space<vmem>> -> memref<16x1024xf32, #tpu.memory_space<vmem>>
    %dma_wait3A_117 = arith.constant 0 : i32
    %dma_wait3A_118 = arith.constant 0 : i32
    %dma_wait3A_119 = tpu.memref_slice %arg4[%dma_wait3A_112, %dma_wait3A_117, %dma_wait3A_118] : memref<4x2048x1024xf32, #tpu.memory_space<hbm>> -> memref<1x16x1024xf32, #tpu.memory_space<hbm>>
    %dma_wait3A_120 = tpu.memref_squeeze %dma_wait3A_119 : memref<1x16x1024xf32, #tpu.memory_space<hbm>> -> memref<16x1024xf32, #tpu.memory_space<hbm>>
    %dma_wait3A_121 = arith.constant 0 : i32
    %dma_wait3A_122 = arith.constant 0 : i32
    %dma_wait3A_123 = tpu.memref_slice %arg4[%dma_wait3A_112, %dma_wait3A_121, %dma_wait3A_122] : memref<4x2048x1024xf32, #tpu.memory_space<hbm>> -> memref<1x16x1024xf32, #tpu.memory_space<hbm>>
    %dma_wait3A_124 = tpu.memref_squeeze %dma_wait3A_123 : memref<1x16x1024xf32, #tpu.memory_space<hbm>> -> memref<16x1024xf32, #tpu.memory_space<hbm>>
    %dma_wait3A_125 = arith.constant 0 : i32
    %dma_wait3A_126 = arith.constant 0 : i32
    %dma_wait3A_127 = tpu.memref_slice %arg6[%dma_wait3A, %dma_wait3A_125, %dma_wait3A_126] : memref<5x16x1024xf32, #tpu.memory_space<vmem>> -> memref<1x16x1024xf32, #tpu.memory_space<vmem>>
    %dma_wait3A_128 = tpu.memref_squeeze %dma_wait3A_127 : memref<1x16x1024xf32, #tpu.memory_space<vmem>> -> memref<16x1024xf32, #tpu.memory_space<vmem>>
    tpu.wait_dma2 semaphore(%arg9 : memref<!tpu.dma_semaphore, #tpu.memory_space<semaphore_mem>>) src(%dma_wait3A_128 : memref<16x1024xf32, #tpu.memory_space<vmem>>) dst(%dma_wait3A_124 : memref<16x1024xf32, #tpu.memory_space<hbm>>)
    %dma_wait3A_129 = arith.constant 0 : i32
    %dma_wait3A_130 = arith.constant 0 : i32
    %dma_wait3A_131 = arith.constant 0 : i32
    %dma_wait3A_132 = arith.constant 0 : i32
    %dma_wait3A_133 = tpu.memref_slice %arg6[%dma_wait3A_129, %dma_wait3A_131, %dma_wait3A_132] : memref<5x16x1024xf32, #tpu.memory_space<vmem>> -> memref<1x16x1024xf32, #tpu.memory_space<vmem>>
    %dma_wait3A_134 = tpu.memref_squeeze %dma_wait3A_133 : memref<1x16x1024xf32, #tpu.memory_space<vmem>> -> memref<16x1024xf32, #tpu.memory_space<vmem>>
    %dma_wait3A_135 = arith.constant 0 : i32
    %dma_wait3A_136 = arith.constant 0 : i32
    %dma_wait3A_137 = tpu.memref_slice %arg4[%dma_wait3A_130, %dma_wait3A_135, %dma_wait3A_136] : memref<4x2048x1024xf32, #tpu.memory_space<hbm>> -> memref<1x16x1024xf32, #tpu.memory_space<hbm>>
    %dma_wait3A_138 = tpu.memref_squeeze %dma_wait3A_137 : memref<1x16x1024xf32, #tpu.memory_space<hbm>> -> memref<16x1024xf32, #tpu.memory_space<hbm>>
    %dma_wait3A_139 = arith.constant 0 : i32
    %dma_wait3A_140 = arith.constant 0 : i32
    %dma_wait3A_141 = tpu.memref_slice %arg4[%dma_wait3A_130, %dma_wait3A_139, %dma_wait3A_140] : memref<4x2048x1024xf32, #tpu.memory_space<hbm>> -> memref<1x16x1024xf32, #tpu.memory_space<hbm>>
    %dma_wait3A_142 = tpu.memref_squeeze %dma_wait3A_141 : memref<1x16x1024xf32, #tpu.memory_space<hbm>> -> memref<16x1024xf32, #tpu.memory_space<hbm>>
    %dma_wait3A_143 = arith.constant 0 : i32
    %dma_wait3A_144 = arith.constant 0 : i32
    %dma_wait3A_145 = tpu.memref_slice %arg6[%dma_wait3A_129, %dma_wait3A_143, %dma_wait3A_144] : memref<5x16x1024xf32, #tpu.memory_space<vmem>> -> memref<1x16x1024xf32, #tpu.memory_space<vmem>>
    %dma_wait3A_146 = tpu.memref_squeeze %dma_wait3A_145 : memref<1x16x1024xf32, #tpu.memory_space<vmem>> -> memref<16x1024xf32, #tpu.memory_space<vmem>>
    tpu.wait_dma2 semaphore(%arg9 : memref<!tpu.dma_semaphore, #tpu.memory_space<semaphore_mem>>) src(%dma_wait3A_146 : memref<16x1024xf32, #tpu.memory_space<vmem>>) dst(%dma_wait3A_142 : memref<16x1024xf32, #tpu.memory_space<hbm>>)
    %dma_wait3A_147 = arith.constant 0 : i32
    %dma_wait3A_148 = arith.constant 0 : i32
    %dma_wait3A_149 = arith.constant 0 : i32
    %dma_wait3A_150 = arith.constant 0 : i32
    %dma_wait3A_151 = tpu.memref_slice %arg6[%dma_wait3A_147, %dma_wait3A_149, %dma_wait3A_150] : memref<5x16x1024xf32, #tpu.memory_space<vmem>> -> memref<1x16x1024xf32, #tpu.memory_space<vmem>>
    %dma_wait3A_152 = tpu.memref_squeeze %dma_wait3A_151 : memref<1x16x1024xf32, #tpu.memory_space<vmem>> -> memref<16x1024xf32, #tpu.memory_space<vmem>>
    %dma_wait3A_153 = arith.constant 0 : i32
    %dma_wait3A_154 = arith.constant 0 : i32
    %dma_wait3A_155 = tpu.memref_slice %arg4[%dma_wait3A_148, %dma_wait3A_153, %dma_wait3A_154] : memref<4x2048x1024xf32, #tpu.memory_space<hbm>> -> memref<1x16x1024xf32, #tpu.memory_space<hbm>>
    %dma_wait3A_156 = tpu.memref_squeeze %dma_wait3A_155 : memref<1x16x1024xf32, #tpu.memory_space<hbm>> -> memref<16x1024xf32, #tpu.memory_space<hbm>>
    %dma_wait3A_157 = arith.constant 0 : i32
    %dma_wait3A_158 = arith.constant 0 : i32
    %dma_wait3A_159 = tpu.memref_slice %arg4[%dma_wait3A_148, %dma_wait3A_157, %dma_wait3A_158] : memref<4x2048x1024xf32, #tpu.memory_space<hbm>> -> memref<1x16x1024xf32, #tpu.memory_space<hbm>>
    %dma_wait3A_160 = tpu.memref_squeeze %dma_wait3A_159 : memref<1x16x1024xf32, #tpu.memory_space<hbm>> -> memref<16x1024xf32, #tpu.memory_space<hbm>>
    %dma_wait3A_161 = arith.constant 0 : i32
    %dma_wait3A_162 = arith.constant 0 : i32
    %dma_wait3A_163 = tpu.memref_slice %arg6[%dma_wait3A_147, %dma_wait3A_161, %dma_wait3A_162] : memref<5x16x1024xf32, #tpu.memory_space<vmem>> -> memref<1x16x1024xf32, #tpu.memory_space<vmem>>
    %dma_wait3A_164 = tpu.memref_squeeze %dma_wait3A_163 : memref<1x16x1024xf32, #tpu.memory_space<vmem>> -> memref<16x1024xf32, #tpu.memory_space<vmem>>
    tpu.wait_dma2 semaphore(%arg9 : memref<!tpu.dma_semaphore, #tpu.memory_space<semaphore_mem>>) src(%dma_wait3A_164 : memref<16x1024xf32, #tpu.memory_space<vmem>>) dst(%dma_wait3A_160 : memref<16x1024xf32, #tpu.memory_space<hbm>>)
    %dma_wait3A_165 = arith.constant 0 : i32
    %dma_wait3A_166 = arith.constant 0 : i32
    %dma_wait3A_167 = arith.constant 0 : i32
    %dma_wait3A_168 = arith.constant 0 : i32
    %dma_wait3A_169 = tpu.memref_slice %arg6[%dma_wait3A_165, %dma_wait3A_167, %dma_wait3A_168] : memref<5x16x1024xf32, #tpu.memory_space<vmem>> -> memref<1x16x1024xf32, #tpu.memory_space<vmem>>
    %dma_wait3A_170 = tpu.memref_squeeze %dma_wait3A_169 : memref<1x16x1024xf32, #tpu.memory_space<vmem>> -> memref<16x1024xf32, #tpu.memory_space<vmem>>
    %dma_wait3A_171 = arith.constant 0 : i32
    %dma_wait3A_172 = arith.constant 0 : i32
    %dma_wait3A_173 = tpu.memref_slice %arg4[%dma_wait3A_166, %dma_wait3A_171, %dma_wait3A_172] : memref<4x2048x1024xf32, #tpu.memory_space<hbm>> -> memref<1x16x1024xf32, #tpu.memory_space<hbm>>
    %dma_wait3A_174 = tpu.memref_squeeze %dma_wait3A_173 : memref<1x16x1024xf32, #tpu.memory_space<hbm>> -> memref<16x1024xf32, #tpu.memory_space<hbm>>
    %dma_wait3A_175 = arith.constant 0 : i32
    %dma_wait3A_176 = arith.constant 0 : i32
    %dma_wait3A_177 = tpu.memref_slice %arg4[%dma_wait3A_166, %dma_wait3A_175, %dma_wait3A_176] : memref<4x2048x1024xf32, #tpu.memory_space<hbm>> -> memref<1x16x1024xf32, #tpu.memory_space<hbm>>
    %dma_wait3A_178 = tpu.memref_squeeze %dma_wait3A_177 : memref<1x16x1024xf32, #tpu.memory_space<hbm>> -> memref<16x1024xf32, #tpu.memory_space<hbm>>
    %dma_wait3A_179 = arith.constant 0 : i32
    %dma_wait3A_180 = arith.constant 0 : i32
    %dma_wait3A_181 = tpu.memref_slice %arg6[%dma_wait3A_165, %dma_wait3A_179, %dma_wait3A_180] : memref<5x16x1024xf32, #tpu.memory_space<vmem>> -> memref<1x16x1024xf32, #tpu.memory_space<vmem>>
    %dma_wait3A_182 = tpu.memref_squeeze %dma_wait3A_181 : memref<1x16x1024xf32, #tpu.memory_space<vmem>> -> memref<16x1024xf32, #tpu.memory_space<vmem>>
    tpu.wait_dma2 semaphore(%arg9 : memref<!tpu.dma_semaphore, #tpu.memory_space<semaphore_mem>>) src(%dma_wait3A_182 : memref<16x1024xf32, #tpu.memory_space<vmem>>) dst(%dma_wait3A_178 : memref<16x1024xf32, #tpu.memory_space<hbm>>)
    %dma_wait3A_183 = arith.constant 0 : i32
    %dma_wait3A_184 = arith.constant 0 : i32
    %dma_wait3A_185 = arith.constant 0 : i32
    %dma_wait3A_186 = arith.constant 0 : i32
    %dma_wait3A_187 = tpu.memref_slice %arg6[%dma_wait3A_183, %dma_wait3A_185, %dma_wait3A_186] : memref<5x16x1024xf32, #tpu.memory_space<vmem>> -> memref<1x16x1024xf32, #tpu.memory_space<vmem>>
    %dma_wait3A_188 = tpu.memref_squeeze %dma_wait3A_187 : memref<1x16x1024xf32, #tpu.memory_space<vmem>> -> memref<16x1024xf32, #tpu.memory_space<vmem>>
    %dma_wait3A_189 = arith.constant 0 : i32
    %dma_wait3A_190 = arith.constant 0 : i32
    %dma_wait3A_191 = tpu.memref_slice %arg4[%dma_wait3A_184, %dma_wait3A_189, %dma_wait3A_190] : memref<4x2048x1024xf32, #tpu.memory_space<hbm>> -> memref<1x16x1024xf32, #tpu.memory_space<hbm>>
    %dma_wait3A_192 = tpu.memref_squeeze %dma_wait3A_191 : memref<1x16x1024xf32, #tpu.memory_space<hbm>> -> memref<16x1024xf32, #tpu.memory_space<hbm>>
    %dma_wait3A_193 = arith.constant 0 : i32
    %dma_wait3A_194 = arith.constant 0 : i32
    %dma_wait3A_195 = tpu.memref_slice %arg4[%dma_wait3A_184, %dma_wait3A_193, %dma_wait3A_194] : memref<4x2048x1024xf32, #tpu.memory_space<hbm>> -> memref<1x16x1024xf32, #tpu.memory_space<hbm>>
    %dma_wait3A_196 = tpu.memref_squeeze %dma_wait3A_195 : memref<1x16x1024xf32, #tpu.memory_space<hbm>> -> memref<16x1024xf32, #tpu.memory_space<hbm>>
    %dma_wait3A_197 = arith.constant 0 : i32
    %dma_wait3A_198 = arith.constant 0 : i32
    %dma_wait3A_199 = tpu.memref_slice %arg6[%dma_wait3A_183, %dma_wait3A_197, %dma_wait3A_198] : memref<5x16x1024xf32, #tpu.memory_space<vmem>> -> memref<1x16x1024xf32, #tpu.memory_space<vmem>>
    %dma_wait3A_200 = tpu.memref_squeeze %dma_wait3A_199 : memref<1x16x1024xf32, #tpu.memory_space<vmem>> -> memref<16x1024xf32, #tpu.memory_space<vmem>>
    tpu.wait_dma2 semaphore(%arg9 : memref<!tpu.dma_semaphore, #tpu.memory_space<semaphore_mem>>) src(%dma_wait3A_200 : memref<16x1024xf32, #tpu.memory_space<vmem>>) dst(%dma_wait3A_196 : memref<16x1024xf32, #tpu.memory_space<hbm>>)
    return
  }
}

</mosaic_0001>

<sc_bundles>
// kernel: kernel.3.cloned.1.call-start
scs
__scs_entry_jumppad:
0x0: {  	(pc) =	sbr.rel $0x88, $3  }
0x1: {  	(tag) =	ssettag $0x0;
	lr =	simm.s32 $0x1  }
0x2: {  	[smem:$0x3F9F] =	sst lr;
	_ =	strace $0xD0000000  }
0x3: {  	_ = 	snop  }
0x4: {  	_ = 	snop  }
0x5: {  	_ = 	snop  }
0x6: {  	_ = 	snop  }
0x7: {  	_ = 	snop  }
__scs_overlays_trampoline_lowered:
0x8: {  	[smem:$0x3FAE] =	sst s0  }
0x9: {  	[smem:$0x3FAF] =	sst s1  }
0xa: {  	[smem:$0x3FB0] =	sst s2  }
0xb: {  	[smem:$0x3FB1] =	sst s3  }
0xc: {  	[smem:$0x3FB2] =	sst s4  }
0xd: {  	[smem:$0x3FB3] =	sst s5  }
0xe: {  	[smem:$0x3FB4] =	sst s6  }
0xf: {  	[smem:$0x3FB5] =	sst s7  }
0x10: {  	[smem:$0x3FB6] =	sst s8  }
0x11: {  	[smem:$0x3FB7] =	sst s9;
	s0 =	simm.s32 @!p0 $0x0  }
0x12: {  	s1 =	sld [smem:$0x3F9D];
	s0 =	simm.s32 @p0 $0x1  }
0x13: {  	[smem:$0x3FB8] =	sst s0;
	s0 =	simm.s32 @!p1 $0x0  }
0x14: {  	s2 =	sld [smem:$0x3F9C];
	s0 =	simm.s32 @p1 $0x1  }
0x15: {  	[smem:$0x3FB9] =	sst s0;
	s0 =	simm.s32 @!p2 $0x0  }
0x16: {  	s3 =	sld [smem:$0x3FDB];
	s0 =	simm.s32 @p2 $0x1  }
0x17: {  	s4 =	simm.s32 $0x1BF5;
	[smem:$0x3FBB] =	sst s0  }
0x18: {  	s0 =	sld [smem:$0x3F9E];
	_ =	swait.ge [sflag:s4], $0x0  }
0x19: {  	s7 =	sld [smem:$0x3F9F]  }
0x1a: {  	s8 =	sadd.s32 $0xFFFFE003, lr  }
0x1b: {  	s9 =	sadd.s32 $0xFFFFFEF7, lr;
	s5 =	simm.s32 $0xFFFFFFFF;
	p2 =	slt.u32 s8, $0xFFFFF086  }
0x1c: {  	p1 =	slt.u32 s9, $0xF7A;
	s5 =	simm.s32 @!p2 $0x0  }
0x1d: {  	s5 =	simm.s32 @p1 $0x1;
	p0 =	seq.s32 s7, s2  }
0x1e: {  	s7 =	smul.u32 @!p0 $0xF7A, s2;
	p2 =	seq.s32 @!p0 s5, $0x0  }
0x1f: {  	s9 =	smul.u32 $0xF7A, s1;
	s8 =	simm.s32 @!p0 $0x1BF5;
	p2 =	por !p2, p0  }
0x20: {  	[sflag:s8] =	ssyncset.s32 @!p0 $0xFFFFF086;
	s6 =	sadd.s32 @!p0 s3, s7;
	s7 =	simm.s32 @!p0 $0x108  }
0x21: {  	s3 =	sadd.s32 s3, s9;
	s6 =	sadd.s32 @!p0 $0x88, s6;
	s7 =	simm.s32 @p2 $0x1082  }
0x22: {  	[simem:s7], [sflag:s8] =	dma.local @!p0 [hbm:s6], $0xF7A  }
0x23: {  	s9 =	sor.u32 $0xD0000000, s2;
	s6 =	simm.s32 $0x108;
	_ =	swait.ge @!p0 [sflag:s8], $0x0  }
0x24: {  	s3 =	sadd.s32 $0x88, s3;
	s6 =	simm.s32 @!p1 $0x1082;
	[sflag:s4] =	ssyncset.s32 $0xFFFFF086  }
0x25: {  	[simem:s6], [sflag:s4] =	dma.local [hbm:s3], $0xF7A  }
0x26: {  	[smem:$0x3F9F] =	sst s1;
	(tag) =	ssettag s2;
	_ =	strace s9  }
0x27: {  	s1 =	sld [smem:$0x3FAF]  }
0x28: {  	s2 =	sld [smem:$0x3FB0]  }
0x29: {  	s4 =	sld [smem:$0x3FB2]  }
0x2a: {  	p0 =	seq.s32 s5, $0x0;
	s5 =	sld [smem:$0x3FB3]  }
0x2b: {  	s6 =	sld [smem:$0x3FB4]  }
0x2c: {  	s7 =	sld [smem:$0x3FB5]  }
0x2d: {  	s3 =	simm.s32 $0x108;
	s8 =	sld [smem:$0x3FB6]  }
0x2e: {  	s3 =	simm.s32 @!p0 $0x1082;
	s9 =	sld [smem:$0x3FB7]  }
0x2f: {  	lr =	sadd.s32 s0, s3;
	s0 =	sld [smem:$0x3FAE]  }
0x30: {  	s3 =	sld [smem:$0x3FB1]  }
0x31: {  	[smem:$0x3FBA] =	sst s10  }
0x32: {  	s10 =	sld [smem:$0x3FB8];
	_ =	sdelay $0x3  }
0x33: {  	p0 =	seq.s32 s10, $0x1;
	s10 =	sld [smem:$0x3FBA];
	_ =	sdelay $0x3  }
0x34: {  	[smem:$0x3FBA] =	sst s10  }
0x35: {  	s10 =	sld [smem:$0x3FB9];
	_ =	sdelay $0x3  }
0x36: {  	p1 =	seq.s32 s10, $0x1;
	s10 =	sld [smem:$0x3FBA];
	_ =	sdelay $0x3  }
0x37: {  	[smem:$0x3FBA] =	sst s10  }
0x38: {  	s10 =	sld [smem:$0x3FBB]  }
0x39: {  	_ = 	snop;
	(pc) =	sbr.ind lr, $3  }
0x3a: {  	_ = 	snop  }
0x3b: {  	_ = 	snop  }
0x3c: {  	p2 =	seq.s32 s10, $0x1;
	s10 =	sld [smem:$0x3FBA]  }
0x3d: {  	_ =	shalt  }
0x3e: {  	_ =	shalt  }
0x3f: {  	_ =	shalt  }
0x40: {  	_ =	shalt  }
0x41: {  	_ =	shalt  }
0x42: {  	_ =	shalt  }
0x43: {  	_ =	shalt  }
0x44: {  	_ =	shalt  }
0x45: {  	_ =	shalt  }
0x46: {  	_ =	shalt  }
0x47: {  	_ =	shalt  }
0x48: {  	_ =	shalt  }
0x49: {  	_ =	shalt  }
0x4a: {  	_ =	shalt  }
0x4b: {  	_ =	shalt  }
0x4c: {  	_ =	shalt  }
0x4d: {  	_ =	shalt  }
0x4e: {  	_ =	shalt  }
0x4f: {  	_ =	shalt  }
0x50: {  	_ =	shalt  }
0x51: {  	_ =	shalt  }
0x52: {  	_ =	shalt  }
0x53: {  	_ =	shalt  }
0x54: {  	_ =	shalt  }
0x55: {  	_ =	shalt  }
0x56: {  	_ =	shalt  }
0x57: {  	_ =	shalt  }
0x58: {  	_ =	shalt  }
0x59: {  	_ =	shalt  }
0x5a: {  	_ =	shalt  }
0x5b: {  	_ =	shalt  }
0x5c: {  	_ =	shalt  }
0x5d: {  	_ =	shalt  }
0x5e: {  	_ =	shalt  }
0x5f: {  	_ =	shalt  }
0x60: {  	_ =	shalt  }
0x61: {  	_ =	shalt  }
0x62: {  	_ =	shalt  }
0x63: {  	_ =	shalt  }
0x64: {  	_ =	shalt  }
0x65: {  	_ =	shalt  }
0x66: {  	_ =	shalt  }
0x67: {  	_ =	shalt  }
0x68: {  	_ =	shalt  }
0x69: {  	_ =	shalt  }
0x6a: {  	_ =	shalt  }
0x6b: {  	_ =	shalt  }
0x6c: {  	_ =	shalt  }
0x6d: {  	_ =	shalt  }
0x6e: {  	_ =	shalt  }
0x6f: {  	_ =	shalt  }
0x70: {  	_ =	shalt  }
0x71: {  	_ =	shalt  }
0x72: {  	_ =	shalt  }
0x73: {  	_ =	shalt  }
0x74: {  	_ =	shalt  }
0x75: {  	_ =	shalt  }
0x76: {  	_ =	shalt  }
0x77: {  	_ =	shalt  }
0x78: {  	_ =	shalt  }
0x79: {  	_ =	shalt  }
0x7a: {  	_ =	shalt  }
0x7b: {  	_ =	shalt  }
0x7c: {  	_ =	shalt  }
0x7d: {  	_ =	shalt  }
0x7e: {  	_ =	shalt  }
0x7f: {  	_ =	shalt  }
0x80: {  	_ =	shalt  }
0x81: {  	_ =	shalt  }
0x82: {  	_ =	shalt  }
0x83: {  	_ =	shalt  }
0x84: {  	_ =	shalt  }
0x85: {  	_ =	shalt  }
0x86: {  	_ =	shalt  }
0x87: {  	_ =	shalt  }
.Lfunc_end0:
.L_simem_size_0:
called_computation_lowered:
.L_overlay_start_0:
0x88: {  	s2 =	sld [smem:$0x3FD9]  }
0x89: {  	s3 =	sld [smem:$0x3FFE];
	_ =	sdelay $0x1  }
0x8a: {  	s1 =	srdreg.scid  }
0x8b: {  	s0 =	sand.u32 $0x1, s1  }
0x8c: {  	s18 =	sshll.u32 s0, $0xA;
	s2 =	sadd.s32 s3, s2  }
0x8d: {  	s2 =	sadd.s32 s2, s18  }
0x8e: {  	[smem:$0x3FC6] =	sst s2  }
0x8f: {  	_ = 	snop  }
0x90: {  	s2 =	sld [smem:$0x3FC9]  }
0x91: {  	s19 =	sld [smem:$0x3FC8]  }
0x92: {  	s4 =	sld [smem:$0x3FD0];
	(tm) =	ssettm $0x1  }
0x93: {  	s5 =	sld [smem:$0x3FFB];
	_ =	sdelay $0x3  }
0x94: {  	_ =	strace s5  }
0x95: {  	s5 =	sld [smem:$0x3FFC];
	_ =	sdelay $0x3  }
0x96: {  	_ =	strace s5  }
0x97: {  	s5 =	sld [smem:$0x3FFD];
	_ =	sdelay $0x3  }
0x98: {  	_ =	strace s5  }
0x99: {  	_ =	strace $0x8FFFFFFF  }
0x9a: {  	s20 =	sld [smem:$0x3FDB];
	_ =	sdelay $0x1  }
0x9b: {  	s6 =	simm.s32 $_scs_section_size  }
0x9c: {  	s7 =	simm.s32 $_size__tile_overlayer_lowered;
	s8 =	simm.s32 $_tile_overlayer_lowered  }
0x9d: {  	s23 =	simm.s32 $0x1BFF;
	s22 =	sshll.u32 s8, $0x1;
	s5 =	sadd.s32 s6, s20  }
0x9e: {  	s9 =	simm.s32 $0x0;
	s21 =	sshll.u32 s7, $0x1;
	s7 =	sadd.s32 s22, s5  }
0x9f: {  	[timem:s9], [sflag:s23] =	dma.local [hbm:s7], s21  }
0xa0: {  	_ =	swait.ge [sflag:s23], s21  }
0xa1: {  	s6 =	ssub.s32 $0x0, s21;
	[sflag:s23] =	ssyncset.done $0x0  }
0xa2: {  	[sflag:s23] =	ssyncadd.s32 s6;
	_ =	sdelay $0x1  }
0xa3: {  	s24 =	simm.s32 $0x1B8B  }
0xa4: {  	_ =	swait.ge [sflag:s24], $0x1  }
0xa5: {  	[sflag:s24] =	ssyncset.done $0x0  }
0xa6: {  	s25 =	simm.s32 $0x1B8E;
	[sflag:s24] =	ssyncadd.s32 $0xFFFFFFFF  }
0xa7: {  	s26 =	simm.s32 $execute0_lowered;
	[smem:$0x3FD2] =	sst s25  }
0xa8: {  	s6 =	sshll.u32 s26, $0x1;
	_ =	strace $0x80000046;
	[dreg:$0x1] =	wrdreg $0xFFFFFFFF  }
0xa9: {  	s28 =	simm.s32 $_size_execute0_lowered;
	s5 =	sadd.s32 s5, s6;
	[dreg:$0x0] =	wrdreg $0x0  }
0xaa: {  	s6 =	sshll.u32 s28, $0x1;
	[dreg:$0x2] =	wrdreg s5  }
0xab: {  	[dreg:$0x3] =	wrdreg s6  }
0xac: {  	[dreg:$0x4] =	wrdreg $0xC0  }
0xad: {  	_ =	task [dreg:s9], $0x5FFFF  }
0xae: {  	[dreg:$0x1] =	wrdreg $0xFFFFFFFF  }
0xaf: {  	[dreg:$0x0] =	wrdreg $0x60  }
0xb0: {  	[dreg:$0x2] =	wrdreg s2  }
0xb1: {  	[dreg:$0x3] =	wrdreg s19  }
0xb2: {  	[dreg:$0x4] =	wrdreg s4  }
0xb3: {  	[dreg:$0x5] =	wrdreg $0x9  }
0xb4: {  	_ =	task.clear_ibuf [dreg:s9], $0x6FFFF;
	_ =	strace $0x90000046  }
0xb5: {  	s29 =	simm.s32 $0x9;
	_ =	strace $0x80000048  }
0xb6: {  	_ =	swait.ge [sflag:s29], $0x1  }
0xb7: {  	[sflag:s29] =	ssyncadd.s32 $0xFFFFFFFF  }
0xb8: {  	_ =	strace $0x90000048  }
0xb9: {  	_ =	sfence  }
0xba: {  	s30 =	sld [smem:$0x0];
	_ =	sdelay $0x2  }
0xbb: {  	s31 =	sshll.u32 s1, $0xD;
	s1 =	sshrl.u32 s1, $0x2  }
0xbc: {  	s3 =	sand.u32 $0x4000, s31;
	s1 =	sadd.s32 s1, s30  }
0xbd: {  	s0 =	sor.u32 s3, s0;
	s1 =	sshll.u32 s1, $0x11  }
0xbe: {  	s0 =	sor.u32 s1, s0  }
0xbf: {  	s0 =	sadd.s32 $0x8F2B, s0  }
0xc0: {  	[sflag:s0] =	ssyncadd.remote.s32 $0x1  }
0xc1: {  	_ =	sfence.sel $0xFFFF  }
0xc2: {  	[dreg:$0x0] =	wrdreg $0xFFFFFFFF;
	(pc) =	sbr.abs _section_cstart, $3  }
0xc3: {  	[dreg:$0x1] =	wrdreg $0xFFFFFFFF  }
0xc4: {  	_ =	task.clear_ibuf [dreg:s9], $0x2FFFF;
	_ =	strace $0x9FFFFFFF  }
0xc5: {  	(tm) =	ssettm $0x7FFFFFFF  }
tec
execute0_lowered:
.L_overlay_start_1:
0x0: {  	(tag) =	ssettag $0x1  }
0x1: {  	s1 =	rddreg [dreg:$0x0];
	s0 =	srdreg.scid  }
0x2: {  	s2 =	rddreg [dreg:$0x1];
	s3 =	stileid.u32  }
0x3: {  	s10 =	rddreg [dreg:$0x2];
	s17 =	simm.s32 $0x2;
	s18 =	simm.s32 $0x3  }
0x4: {  	s19 =	simm.s32 $0x0;
	s0 =	sand.u32 $0x1, s0;
	s5 =	sshll.u32 s3, $0x6  }
0x5: {  	s3 =	simm.s32 $0x0;
	s4 =	sshll.u32 s0, $0xA;
	s0 =	ssub.s32 $0x2, s0  }
0x6: {  	[smem:$0x7FF] =	sst s3;
	s4 =	sor.u32 s5, s4;
	s6 =	sshrl.u32 s0, $0x1  }
0x7: {  	_ =	strace $0x80000047;
	s11 =	sshll.u32 s4, $0x7;
	s0 =	ssub.s32 s0, s6  }
0x8: {  	s5 =	sadd.s32 s2, s11;
	s7 =	sadd.s32 s1, s11;
	s10 =	sadd.s32 s10, s11  }
0x9: {  	s11 =	smax.u32 s0, $0x1;
	s2 =	sadd.s32 $0x800, s5;
	s8 =	sadd.s32 $0x40000, s7  }
0xa: {  	s9 =	sadd.s32 $0x80000, s7;
	s12 =	sadd.s32 $0x1000, s5;
	[dreg:$0x4] =	wrdreg s2  }
.LBB2_1:
0xb: {  	[tilespmem:s3], [sflag:$0x1] =	stream.linear.gather [hbm4b:s5+s3], $0x4000, $0x38;
	[tilespmem:$0x1C000] =	vst v63  }
0xc: {  	s0 =	rddreg [dreg:$0x4];
	s2 =	simm.s32 $0x4000  }
0xd: {  	[tilespmem:s2], [sflag:$0x1] =	stream.linear.gather [hbm4b:s0+s3], $0x4000, $0x38;
	[tilespmem:$0x1C000] =	vst v63  }
0xe: {  	s29 =	simm.s32 $0x8000  }
0xf: {  	[tilespmem:s29], [sflag:$0x2] =	stream.linear.gather [hbm4b:s7+s3], $0x4000, $0x38;
	[tilespmem:$0x1C000] =	vst v63  }
0x10: {  	s30 =	simm.s32 $0xC000  }
0x11: {  	[tilespmem:s30], [sflag:$0x2] =	stream.linear.gather [hbm4b:s8+s3], $0x4000, $0x38;
	[tilespmem:$0x1C000] =	vst v63  }
0x12: {  	s31 =	simm.s32 $0x10000;
	s20 =	simm.s32 $0x0;
	s21 =	simm.s32 $0x0  }
0x13: {  	[tilespmem:s31], [sflag:$0x2] =	stream.linear.gather [hbm4b:s9+s3], $0x4000, $0x38;
	[tilespmem:$0x1C000] =	vst v63  }
.LBB2_2:
0x14: {  	s23 =	sand.u32 $0x3, s21;
	s2 =	sshll.u32 s20, $0x10;
	s22 =	sshrl.u32 s21, $0x2  }
0x15: {  	s25 =	simm.s32 $0x0;
	s28 =	simm.s32 $0x0;
	p0 =	sne.s32 s23, $0x0  }
0x16: {  	s13 =	sshra.s32 s2, $0x2;
	s14 =	sshll.u32 s22, $0xE;
	s0 =	simm.s32 @!p0 $0x1  }
0x17: {  	s15 =	sand.u32 $0x2000, s25;
	s16 =	sand.u32 $0x1C00, s28;
	_ =	swait.ge @!p0 [sflag:s0], $0x4000  }
0x18: {  	s30 =	sand.u32 $0x380, s28;
	s26 =	sand.u32 $0x4000, s14;
	[sflag:s0] =	ssyncset.done @!p0 $0x0  }
0x19: {  	s24 =	sadd.s32 $0x8000, s13;
	s29 =	sadd.s32 s15, s26;
	[sflag:s0] =	ssyncadd.s32 @!p0 $0xFFFFC000  }
0x1a: {  	s13 =	sand.u32 $0x40, s25;
	s29 =	sadd.s32 s16, s29;
	_ =	swait.ge [sflag:s17], $0x4000  }
0x1b: {  	s2 =	sor.u32 $0x20, s13;
	s29 =	sadd.s32 s30, s29;
	[sflag:s17] =	ssyncset.done $0x0  }
0x1c: {  	s0 =	sadd.s32 s15, s24;
	s31 =	sadd.s32 s13, s29;
	[sflag:s17] =	ssyncadd.s32 $0xFFFFC000  }
0x1d: {  	s14 =	sor.u32 $0x10, s13;
	s0 =	sadd.s32 s16, s0;
	s16 =	sadd.s32 s2, s29;
	v0 =	vld [tilespmem:s31+$0x0]  }
0x1e: {  	s15 =	sadd.s32 s30, s0;
	s30 =	sor.u32 $0x30, s13;
	s31 =	sadd.s32 s14, s29;
	v3 =	vld [tilespmem:s16+$0x0]  }
0x1f: {  	s6 =	sadd.s32 s30, s29;
	s0 =	sadd.s32 s13, s15;
	s30 =	sadd.s32 s30, s15;
	v1 =	vld [tilespmem:s31+$0x0]  }
0x20: {  	s2 =	sadd.s32 s2, s15;
	v2 =	vld [tilespmem:s6+$0x0];
	s29 =	simm.s32 $0x0;
	s31 =	sadd.s32 s14, s15  }
.LBB2_3:
0x21: {  	s25 =	sadd.s32 $0x40, s25  }
0x22: {  	s28 =	sadd.s32 $0x8, s28;
	s29 =	sadd.s32 $0x200, s29;
	s13 =	sand.u32 $0x2000, s25  }
0x23: {  	s14 =	sand.u32 $0x40, s25;
	[tilespmem:s0+$0x0] =	vst.add.f32.msk $0xffff, v0;
	s0 =	sand.u32 $0x1C00, s29;
	s15 =	sadd.s32 s13, s26  }
0x24: {  	s16 =	sand.u32 $0x380, s28;
	s13 =	sadd.s32 s13, s24;
	[tilespmem:s31+$0x0] =	vst.add.f32.msk $0xffff, v1;
	s15 =	sadd.s32 s0, s15  }
0x25: {  	p0 =	slt.u32 s25, $0x3FC0;
	s0 =	sadd.s32 s0, s13;
	[tilespmem:s2+$0x0] =	vst.add.f32.msk $0xffff, v3;
	s2 =	sadd.s32 s16, s15  }
0x26: {  	s13 =	sadd.s32 s16, s0;
	s15 =	sor.u32 $0x20, s14;
	[tilespmem:s30+$0x0] =	vst.add.f32.msk $0xffff, v2;
	s16 =	sor.u32 $0x10, s14  }
.Ltmp0:
0x27: {  	s30 =	sor.u32 $0x30, s14;
	s0 =	sadd.s32 s14, s2;
	(pc) =	sbr.rel @p0 .LBB2_3-.Ltmp0, $4  }
0x28: {  	s6 =	sadd.s32 s16, s2;
	s31 =	sadd.s32 s16, s13;
	s16 =	sadd.s32 s30, s2;
	v0 =	vld [tilespmem:s0+$0x0]  }
0x29: {  	s2 =	sadd.s32 s15, s2;
	s30 =	sadd.s32 s30, s13;
	s0 =	sadd.s32 s14, s13;
	v1 =	vld [tilespmem:s6+$0x0]  }
0x2a: {  	v3 =	vld [tilespmem:s2+$0x0];
	s2 =	sadd.s32 s15, s13  }
0x2b: {  	v2 =	vld [tilespmem:s16+$0x0]  }
0x2c: {  	_ = 	snop  }
0x2d: {  	[tilespmem:s0+$0x0] =	vst.add.f32.msk $0xffff, v0  }
0x2e: {  	s29 =	sshll.u32 s23, $0x12;
	s6 =	sadd.s32 $0x3, s21;
	[tilespmem:s31+$0x0] =	vst.add.f32.msk $0xffff, v1  }
0x2f: {  	s0 =	sadd.s32 s29, s10;
	s31 =	sand.u32 $0xB, s21;
	[tilespmem:s2+$0x0] =	vst.add.f32.msk $0xffff, v3;
	s2 =	sshll.u32 s22, $0xB  }
0x30: {  	p0 =	sgt.u32 s21, $0xC;
	p1 =	sne.s32 s31, $0x3;
	[tilespmem:s30+$0x0] =	vst.add.f32.msk $0xffff, v2;
	s0 =	sadd.s32 s2, s0  }
0x31: {  	[hbm4b:s0+s3] =	stream.linear.scatter [tilespmem:s24], [sflag:$0x3], $0x4000, $0x38;
	[tilespmem:$0x1C000] =	vst v63  }
0x32: {  	s14 =	smul.u32 @!p0 $0xCD, s6;
	s0 =	sshll.u32 @!p1 s22, $0xE  }
0x33: {  	s2 =	sadd.s32 @!p1 s12, s2;
	s13 =	simm.s32 @!p1 $0x0;
	s0 =	sand.u32 @!p1 $0x3FFFC000, s0  }
0x34: {  	[tilespmem:s0], [sflag:$0x1] =	stream.linear.gather @!p1 [hbm4b:s2+s13], $0x4000, $0x38;
	[tilespmem:$0x1C000] =	vst v63  }
0x35: {  	s0 =	sshrl.u32 @!p0 s14, $0xA;
	p1 =	slt.u32 @!p0 s21, $0x2  }
0x36: {  	s0 =	sand.u32 @!p0 $0x3F, s0;
	p1 =	por p1, p0  }
0x37: {  	s13 =	sshll.u32 @!p0 s6, $0x2;
	s0 =	smul.u32 @!p0 $0x5, s0;
	s2 =	simm.s32 @!p1 $0x3  }
0x38: {  	s21 =	sadd.s32 $0x1, s21;
	s13 =	sand.u32 @!p0 $0x70, s13;
	_ =	swait.ge @!p1 [sflag:s2], $0x4000  }
0x39: {  	s0 =	ssub.s32 @!p0 s6, s0;
	[sflag:s2] =	ssyncset.done @!p1 $0x0;
	s6 =	sshll.u32 @!p0 s6, $0x12  }
0x3a: {  	[sflag:s2] =	ssyncadd.s32 @!p1 $0xFFFFC000;
	s2 =	sand.u32 @!p0 $0xC0000, s6;
	s6 =	sadd.s32 @!p0 s4, s13  }
0x3b: {  	s0 =	sand.u32 @!p0 $0xFF, s0;
	p1 =	sne.s32 s21, $0x10;
	s6 =	sshll.u32 @!p0 s6, $0x7  }
.Ltmp1:
0x3c: {  	s0 =	sshll.u32 @!p0 s0, $0xE;
	s2 =	sadd.s32 @!p0 s1, s2;
	(pc) =	sbr.rel @p1 .LBB2_2-.Ltmp1, $4  }
0x3d: {  	s0 =	sadd.s32 @!p0 $0x8000, s0;
	s2 =	sadd.s32 @!p0 s6, s2;
	s6 =	simm.s32 @!p0 $0x0  }
0x3e: {  	[tilespmem:s0], [sflag:$0x2] =	stream.linear.gather @!p0 [hbm4b:s2+s6], $0x4000, $0x38;
	[tilespmem:$0x1C000] =	vst v63  }
0x3f: {  	p0 =	seq.s32 s20, $0x4;
	s20 =	sadd.s32 $0x1, s20  }
0x40: {  	s20 =	simm.s32 @p0 $0x0  }
0x41: {  	_ =	swait.ge [sflag:s18], $0x4000  }
0x42: {  	[sflag:s18] =	ssyncset.done $0x0  }
0x43: {  	[sflag:s18] =	ssyncadd.s32 $0xFFFFC000  }
0x44: {  	_ =	swait.ge [sflag:s18], $0x4000  }
0x45: {  	[sflag:s18] =	ssyncset.done $0x0  }
0x46: {  	[sflag:s18] =	ssyncadd.s32 $0xFFFFC000  }
0x47: {  	_ =	swait.ge [sflag:s18], $0x4000  }
0x48: {  	[sflag:s18] =	ssyncset.done $0x0  }
0x49: {  	s19 =	sadd.s32 $0x1, s19;
	[sflag:s18] =	ssyncadd.s32 $0xFFFFC000  }
0x4a: {  	p0 =	sne.s32 s19, s11;
	_ =	swait.ge [sflag:s18], $0x4000  }
.Ltmp2:
0x4b: {  	[sflag:s18] =	ssyncset.done $0x0;
	(pc) =	sbr.rel @p0 .LBB2_1-.Ltmp2, $4  }
0x4c: {  	[sflag:s18] =	ssyncadd.s32 $0xFFFFC000  }
0x4d: {  	_ =	swait.ge [sflag:s18], $0x4000  }
0x4e: {  	[sflag:s18] =	ssyncset.done $0x0  }
0x4f: {  	[sflag:s18] =	ssyncadd.s32 $0xFFFFC000  }
0x50: {  	_ =	sfence.sel $0x180000  }
0x51: {  	[bflag:$0x0] =	sbarrier.arrive $0xFFFF  }
0x52: {  	_ =	strace $0x90000047  }
0x53: {  	s0 =	stileid.u32;
	[bflag:$0x2] =	sbarrier.arrive $0xFFFF  }
0x54: {  	p0 =	sne.s32 s0, $0x0;
	s0 =	rddreg [dreg:$0x3]  }
0x55: {  	s0 =	sadd.s32 @!p0 $0x100000, s0  }
0x56: {  	[sflag:s0] =	ssyncadd.tile.s32 @!p0 $0x1;
	_ =	shalt  }
.Lfunc_end2:
_tile_overlayer_lowered:
.L_overlay_start_2:
0x57: {  	(tag) =	ssettag $0x2  }
0x58: {  	s0 =	rddreg [dreg:$0x0];
	s2 =	stileid.u32  }
0x59: {  	s1 =	rddreg [dreg:$0x1];
	p0 =	sne.s32 s2, $0x0  }
0x5a: {  	s3 =	rddreg [dreg:$0x2];
	[bflag:$0x3] =	sbarrier.arrive $0xFFFF;
	s2 =	simm.s32 @!p0 $0x1C04  }
0x5b: {  	[timem:s3], [sflag:s2] =	dma.local @!p0 [hbm:s0], s1  }
0x5c: {  	s0 =	simm.s32 @!p0 $0x4  }
0x5d: {  	_ =	swait.ge @!p0 [sflag:s0], s1  }
0x5e: {  	s1 =	ssub.s32 @!p0 $0x0, s1;
	[sflag:s0] =	ssyncset.done @!p0 $0x0  }
0x5f: {  	[sflag:s0] =	ssyncadd.s32 @!p0 s1  }
0x60: {  	[bflag:$0x3] =	sbarrier.arrive $0xFFFF  }
0x61: {  	_ =	shalt  }

</sc_bundles>
